<compile_context>
chip_gen: v7x
topology: tpu7x:2x2x1
jax: 0.10.2.dev20260603
libtpu: 0.0.44.dev20260713+nightly
codegen_flags: <defaults>
</compile_context>

<pallas_src>
import functools

import jax
import jax.numpy as jnp
from jax import lax
from jax.experimental import pallas as pl
from jax.experimental.pallas import tpu as pltpu
from jax.experimental.pallas import tpu_sc as plsc

VOCAB = 100000
D = 128
NC = 2
NS = 16
NW = NC * NS


def _embed_lookup(idx_flat, weight, *, n_rows, chunk):
    b_per_w = n_rows // NW
    n_chunks = b_per_w // chunk
    assert (n_chunks - 4) % 4 == 0 and n_chunks >= 8
    mesh = plsc.VectorSubcoreMesh(core_axis_name="c", subcore_axis_name="s")

    @functools.partial(
        pl.kernel,
        mesh=mesh,
        out_type=jax.ShapeDtypeStruct((n_rows, D), jnp.float32),
        scratch_types=(
            [pltpu.VMEM((chunk,), jnp.int32) for _ in range(4)]
            + [pltpu.VMEM((chunk, D), jnp.float32) for _ in range(4)]
            + [pltpu.SemaphoreType.DMA for _ in range(12)]
        ),
    )
    def k(idx_hbm, table_hbm, out_hbm, *refs):
        idx_v = refs[0:4]
        rows_v = refs[4:8]
        isem = refs[8:12]
        gsem = refs[12:16]
        ssem = refs[16:20]
        wid = lax.axis_index("s") * NC + lax.axis_index("c")
        base = wid * b_per_w

        def idx_start(c, b):
            off = base + c * chunk
            pltpu.async_copy(idx_hbm.at[pl.ds(off, chunk)], idx_v[b], isem[b])

        def idx_wait(b):
            pltpu.make_async_copy(idx_hbm.at[pl.ds(base, chunk)], idx_v[b],
                                  isem[b]).wait()

        def gather_start(b):
            pltpu.async_copy(table_hbm.at[idx_v[b]], rows_v[b], gsem[b])

        def gather_wait(b):
            pltpu.make_async_copy(table_hbm.at[idx_v[b]], rows_v[b],
                                  gsem[b]).wait()

        def store_start(c, b):
            off = base + c * chunk
            pltpu.async_copy(rows_v[b], out_hbm.at[pl.ds(off, chunk)],
                             ssem[b])

        def store_wait(c, b):
            off = base + c * chunk
            pltpu.make_async_copy(rows_v[b], out_hbm.at[pl.ds(off, chunk)],
                                  ssem[b]).wait()

        idx_start(0, 0)
        idx_start(1, 1)
        idx_start(2, 2)
        idx_wait(0)
        gather_start(0)
        idx_wait(1)
        gather_start(1)
        idx_wait(2)
        gather_start(2)
        gather_wait(0)
        store_start(0, 0)
        idx_start(3, 3)
        idx_wait(3)
        gather_start(3)
        gather_wait(1)
        store_start(1, 1)
        idx_start(4, 0)

        @pl.loop(2, n_chunks - 2, step=4)
        def _(c0):
            for ph in range(4):
                c = c0 + ph
                b = (2 + ph) % 4
                b2 = (b + 2) % 4
                b3 = (b + 3) % 4
                store_wait(c - 2, b2)
                idx_wait(b2)
                gather_start(b2)
                gather_wait(b)
                store_start(c, b)

                @pl.when(c + 3 < n_chunks)
                def _():
                    idx_start(c + 3, b3)

        gather_wait(2)
        store_start(n_chunks - 2, 2)
        gather_wait(3)
        store_start(n_chunks - 1, 3)
        store_wait(n_chunks - 4, 0)
        store_wait(n_chunks - 3, 1)
        store_wait(n_chunks - 2, 2)
        store_wait(n_chunks - 1, 3)

    return k(idx_flat, weight)


def kernel(inputs, weight):
    b, t = inputs.shape
    n_rows = b * t
    idx_flat = inputs.reshape(n_rows).astype(jnp.int32)
    out = _embed_lookup(idx_flat, weight, n_rows=n_rows, chunk=200)
    return out.reshape(b, t, D)

# --- scband reference (transcript-rebuilt; emitter-appended) ---
"""Pipeline reference for scband-embedding-46540265619782 (READ-ONLY COPY).

The authoritative reference and input builder live on the scoring server;
editing this copy changes nothing except your own understanding.
"""

import jax, jax.numpy as jnp
import numpy as np

VOCAB = 100000
EMBED_DIM = 128
PADDING_IDX = 0

def setup_inputs(seed: int = 0) -> dict:
    key = jax.random.key(seed)
    k_idx, k_w = jax.random.split(key)
    inputs = jax.random.randint(k_idx, (4096, 200), 0, VOCAB, dtype=jnp.int64 if jax.config.read('jax_enable_x64') else jnp.int32)
    weight = jax.random.normal(k_w, (VOCAB, EMBED_DIM), dtype=jnp.float32)
    # nn.Embedding with padding_idx zeros that row at init
    weight = weight.at[PADDING_IDX].set(0.0)
    return {"inputs": inputs, "weight": weight}

def reference(inputs, weight):
    # Faithful to nn.Embedding(vocab, dim, padding_idx=0): gather rows;
    # padding row is zero (enforced in the table). Dropout p=0.0 -> identity.
    out = jnp.take(weight, inputs, axis=0)
    return out

if __name__ == "__main__":
    import jax
    _d = setup_inputs()
    print(jax.jit(kernel)(*tuple(_d.values())))

</pallas_src>

<mosaic_0001>
#map = affine_map<(d0, d1) -> (0)>
#map1 = affine_map<(d0, d1) -> (0, 0)>
module attributes {stable_mosaic.version = 14 : i64} {
  func.func @k(%arg0: i32, %arg1: i32, %arg2: memref<819200xi32, #tpu.memory_space<hbm>>, %arg3: memref<100000x128xf32, #tpu.memory_space<hbm>>, %arg4: memref<819200x128xf32, #tpu.memory_space<hbm>>, %arg5: memref<200xi32, #tpu.memory_space<vmem>>, %arg6: memref<200xi32, #tpu.memory_space<vmem>>, %arg7: memref<200xi32, #tpu.memory_space<vmem>>, %arg8: memref<200xi32, #tpu.memory_space<vmem>>, %arg9: memref<200x128xf32, #tpu.memory_space<vmem>>, %arg10: memref<200x128xf32, #tpu.memory_space<vmem>>, %arg11: memref<200x128xf32, #tpu.memory_space<vmem>>, %arg12: memref<200x128xf32, #tpu.memory_space<vmem>>, %arg13: memref<!tpu.dma_semaphore, #tpu.memory_space<semaphore_mem>>, %arg14: memref<!tpu.dma_semaphore, #tpu.memory_space<semaphore_mem>>, %arg15: memref<!tpu.dma_semaphore, #tpu.memory_space<semaphore_mem>>, %arg16: memref<!tpu.dma_semaphore, #tpu.memory_space<semaphore_mem>>, %arg17: memref<!tpu.dma_semaphore, #tpu.memory_space<semaphore_mem>>, %arg18: memref<!tpu.dma_semaphore, #tpu.memory_space<semaphore_mem>>, %arg19: memref<!tpu.dma_semaphore, #tpu.memory_space<semaphore_mem>>, %arg20: memref<!tpu.dma_semaphore, #tpu.memory_space<semaphore_mem>>, %arg21: memref<!tpu.dma_semaphore, #tpu.memory_space<semaphore_mem>>, %arg22: memref<!tpu.dma_semaphore, #tpu.memory_space<semaphore_mem>>, %arg23: memref<!tpu.dma_semaphore, #tpu.memory_space<semaphore_mem>>, %arg24: memref<!tpu.dma_semaphore, #tpu.memory_space<semaphore_mem>>) attributes {dimension_semantics = [#tpu.dimension_semantics<core_parallel>, #tpu.dimension_semantics<subcore_parallel>], iteration_bounds = array<i64: 2, 16>, scalar_prefetch = 0 : i64, scratch_operands = 20 : i64, tpu.core_type = #tpu.core_type<sc_vector_subcore>, window_params = [{transform_indices = #map}, {transform_indices = #map1}, {transform_indices = #map1}]} {
    %mul3A = arith.constant 2 : i32
    %mul3A_0 = arith.muli %arg1, %mul3A : i32
    %add3A = arith.addi %mul3A_0, %arg0 : i32
    %mul3A_1 = arith.constant 25600 : i32
    %mul3A_2 = arith.muli %add3A, %mul3A_1 : i32
    %add3A_3 = arith.constant 0 : i32
    %add3A_4 = arith.addi %mul3A_2, %add3A_3 : i32
    %dma_start3A = tpu.memref_slice %arg2[%add3A_4] : memref<819200xi32, #tpu.memory_space<hbm>> -> memref<200xi32, #tpu.memory_space<hbm>>
    %dma_start3A_5 = tpu.memref_slice %arg2[%add3A_4] : memref<819200xi32, #tpu.memory_space<hbm>> -> memref<200xi32, #tpu.memory_space<hbm>>
    tpu.enqueue_dma source(%dma_start3A_5 : memref<200xi32, #tpu.memory_space<hbm>>) target(%arg5 : memref<200xi32, #tpu.memory_space<vmem>>) target_semaphore(%arg13 : memref<!tpu.dma_semaphore, #tpu.memory_space<semaphore_mem>>)
    %add3A_6 = arith.constant 200 : i32
    %add3A_7 = arith.addi %mul3A_2, %add3A_6 : i32
    %dma_start3A_8 = tpu.memref_slice %arg2[%add3A_7] : memref<819200xi32, #tpu.memory_space<hbm>> -> memref<200xi32, #tpu.memory_space<hbm>>
    %dma_start3A_9 = tpu.memref_slice %arg2[%add3A_7] : memref<819200xi32, #tpu.memory_space<hbm>> -> memref<200xi32, #tpu.memory_space<hbm>>
    tpu.enqueue_dma source(%dma_start3A_9 : memref<200xi32, #tpu.memory_space<hbm>>) target(%arg6 : memref<200xi32, #tpu.memory_space<vmem>>) target_semaphore(%arg14 : memref<!tpu.dma_semaphore, #tpu.memory_space<semaphore_mem>>)
    %add3A_10 = arith.constant 400 : i32
    %add3A_11 = arith.addi %mul3A_2, %add3A_10 : i32
    %dma_start3A_12 = tpu.memref_slice %arg2[%add3A_11] : memref<819200xi32, #tpu.memory_space<hbm>> -> memref<200xi32, #tpu.memory_space<hbm>>
    %dma_start3A_13 = tpu.memref_slice %arg2[%add3A_11] : memref<819200xi32, #tpu.memory_space<hbm>> -> memref<200xi32, #tpu.memory_space<hbm>>
    tpu.enqueue_dma source(%dma_start3A_13 : memref<200xi32, #tpu.memory_space<hbm>>) target(%arg7 : memref<200xi32, #tpu.memory_space<vmem>>) target_semaphore(%arg15 : memref<!tpu.dma_semaphore, #tpu.memory_space<semaphore_mem>>)
    %dma_wait3A = tpu.memref_slice %arg2[%mul3A_2] : memref<819200xi32, #tpu.memory_space<hbm>> -> memref<200xi32, #tpu.memory_space<hbm>>
    %dma_wait3A_14 = tpu.memref_slice %arg2[%mul3A_2] : memref<819200xi32, #tpu.memory_space<hbm>> -> memref<200xi32, #tpu.memory_space<hbm>>
    tpu.wait_dma2 semaphore(%arg13 : memref<!tpu.dma_semaphore, #tpu.memory_space<semaphore_mem>>) src(%dma_wait3A_14 : memref<200xi32, #tpu.memory_space<hbm>>) dst(%arg5 : memref<200xi32, #tpu.memory_space<vmem>>)
    %dma_start3A_15 = arith.constant 0 : i32
    %dma_start3A_16 = arith.constant 0 : i32
    %dma_start3A_17 = tpu.memref_slice %arg3[%dma_start3A_15, %dma_start3A_16] : memref<100000x128xf32, #tpu.memory_space<hbm>> -> memref<100000x128xf32, #tpu.memory_space<hbm>>
    tpu.enqueue_indirect_dma source(%dma_start3A_17 : memref<100000x128xf32, #tpu.memory_space<hbm>>) target(%arg9 : memref<200x128xf32, #tpu.memory_space<vmem>>) offsets(%arg5 : memref<200xi32, #tpu.memory_space<vmem>>) semaphore(%arg17 : memref<!tpu.dma_semaphore, #tpu.memory_space<semaphore_mem>>)
    %dma_wait3A_18 = tpu.memref_slice %arg2[%mul3A_2] : memref<819200xi32, #tpu.memory_space<hbm>> -> memref<200xi32, #tpu.memory_space<hbm>>
    %dma_wait3A_19 = tpu.memref_slice %arg2[%mul3A_2] : memref<819200xi32, #tpu.memory_space<hbm>> -> memref<200xi32, #tpu.memory_space<hbm>>
    tpu.wait_dma2 semaphore(%arg14 : memref<!tpu.dma_semaphore, #tpu.memory_space<semaphore_mem>>) src(%dma_wait3A_19 : memref<200xi32, #tpu.memory_space<hbm>>) dst(%arg6 : memref<200xi32, #tpu.memory_space<vmem>>)
    %dma_start3A_20 = arith.constant 0 : i32
    %dma_start3A_21 = arith.constant 0 : i32
    %dma_start3A_22 = tpu.memref_slice %arg3[%dma_start3A_20, %dma_start3A_21] : memref<100000x128xf32, #tpu.memory_space<hbm>> -> memref<100000x128xf32, #tpu.memory_space<hbm>>
    tpu.enqueue_indirect_dma source(%dma_start3A_22 : memref<100000x128xf32, #tpu.memory_space<hbm>>) target(%arg10 : memref<200x128xf32, #tpu.memory_space<vmem>>) offsets(%arg6 : memref<200xi32, #tpu.memory_space<vmem>>) semaphore(%arg18 : memref<!tpu.dma_semaphore, #tpu.memory_space<semaphore_mem>>)
    %dma_wait3A_23 = tpu.memref_slice %arg2[%mul3A_2] : memref<819200xi32, #tpu.memory_space<hbm>> -> memref<200xi32, #tpu.memory_space<hbm>>
    %dma_wait3A_24 = tpu.memref_slice %arg2[%mul3A_2] : memref<819200xi32, #tpu.memory_space<hbm>> -> memref<200xi32, #tpu.memory_space<hbm>>
    tpu.wait_dma2 semaphore(%arg15 : memref<!tpu.dma_semaphore, #tpu.memory_space<semaphore_mem>>) src(%dma_wait3A_24 : memref<200xi32, #tpu.memory_space<hbm>>) dst(%arg7 : memref<200xi32, #tpu.memory_space<vmem>>)
    %dma_start3A_25 = arith.constant 0 : i32
    %dma_start3A_26 = arith.constant 0 : i32
    %dma_start3A_27 = tpu.memref_slice %arg3[%dma_start3A_25, %dma_start3A_26] : memref<100000x128xf32, #tpu.memory_space<hbm>> -> memref<100000x128xf32, #tpu.memory_space<hbm>>
    tpu.enqueue_indirect_dma source(%dma_start3A_27 : memref<100000x128xf32, #tpu.memory_space<hbm>>) target(%arg11 : memref<200x128xf32, #tpu.memory_space<vmem>>) offsets(%arg7 : memref<200xi32, #tpu.memory_space<vmem>>) semaphore(%arg19 : memref<!tpu.dma_semaphore, #tpu.memory_space<semaphore_mem>>)
    %dma_wait3A_28 = arith.constant 0 : i32
    %dma_wait3A_29 = arith.constant 0 : i32
    %dma_wait3A_30 = tpu.memref_slice %arg3[%dma_wait3A_28, %dma_wait3A_29] : memref<100000x128xf32, #tpu.memory_space<hbm>> -> memref<100000x128xf32, #tpu.memory_space<hbm>>
    tpu.wait_indirect_dma semaphore(%arg17 : memref<!tpu.dma_semaphore, #tpu.memory_space<semaphore_mem>>) src(%dma_wait3A_30 : memref<100000x128xf32, #tpu.memory_space<hbm>>) dst(%arg9 : memref<200x128xf32, #tpu.memory_space<vmem>>)
    %add3A_31 = arith.constant 0 : i32
    %add3A_32 = arith.addi %mul3A_2, %add3A_31 : i32
    %dma_start3A_33 = arith.constant 0 : i32
    %dma_start3A_34 = tpu.memref_slice %arg4[%add3A_32, %dma_start3A_33] : memref<819200x128xf32, #tpu.memory_space<hbm>> -> memref<200x128xf32, #tpu.memory_space<hbm>>
    %dma_start3A_35 = arith.constant 0 : i32
    %dma_start3A_36 = tpu.memref_slice %arg4[%add3A_32, %dma_start3A_35] : memref<819200x128xf32, #tpu.memory_space<hbm>> -> memref<200x128xf32, #tpu.memory_space<hbm>>
    tpu.enqueue_dma source(%arg9 : memref<200x128xf32, #tpu.memory_space<vmem>>) target(%dma_start3A_36 : memref<200x128xf32, #tpu.memory_space<hbm>>) target_semaphore(%arg21 : memref<!tpu.dma_semaphore, #tpu.memory_space<semaphore_mem>>)
    %add3A_37 = arith.constant 600 : i32
    %add3A_38 = arith.addi %mul3A_2, %add3A_37 : i32
    %dma_start3A_39 = tpu.memref_slice %arg2[%add3A_38] : memref<819200xi32, #tpu.memory_space<hbm>> -> memref<200xi32, #tpu.memory_space<hbm>>
    %dma_start3A_40 = tpu.memref_slice %arg2[%add3A_38] : memref<819200xi32, #tpu.memory_space<hbm>> -> memref<200xi32, #tpu.memory_space<hbm>>
    tpu.enqueue_dma source(%dma_start3A_40 : memref<200xi32, #tpu.memory_space<hbm>>) target(%arg8 : memref<200xi32, #tpu.memory_space<vmem>>) target_semaphore(%arg16 : memref<!tpu.dma_semaphore, #tpu.memory_space<semaphore_mem>>)
    %dma_wait3A_41 = tpu.memref_slice %arg2[%mul3A_2] : memref<819200xi32, #tpu.memory_space<hbm>> -> memref<200xi32, #tpu.memory_space<hbm>>
    %dma_wait3A_42 = tpu.memref_slice %arg2[%mul3A_2] : memref<819200xi32, #tpu.memory_space<hbm>> -> memref<200xi32, #tpu.memory_space<hbm>>
    tpu.wait_dma2 semaphore(%arg16 : memref<!tpu.dma_semaphore, #tpu.memory_space<semaphore_mem>>) src(%dma_wait3A_42 : memref<200xi32, #tpu.memory_space<hbm>>) dst(%arg8 : memref<200xi32, #tpu.memory_space<vmem>>)
    %dma_start3A_43 = arith.constant 0 : i32
    %dma_start3A_44 = arith.constant 0 : i32
    %dma_start3A_45 = tpu.memref_slice %arg3[%dma_start3A_43, %dma_start3A_44] : memref<100000x128xf32, #tpu.memory_space<hbm>> -> memref<100000x128xf32, #tpu.memory_space<hbm>>
    tpu.enqueue_indirect_dma source(%dma_start3A_45 : memref<100000x128xf32, #tpu.memory_space<hbm>>) target(%arg12 : memref<200x128xf32, #tpu.memory_space<vmem>>) offsets(%arg8 : memref<200xi32, #tpu.memory_space<vmem>>) semaphore(%arg20 : memref<!tpu.dma_semaphore, #tpu.memory_space<semaphore_mem>>)
    %dma_wait3A_46 = arith.constant 0 : i32
    %dma_wait3A_47 = arith.constant 0 : i32
    %dma_wait3A_48 = tpu.memref_slice %arg3[%dma_wait3A_46, %dma_wait3A_47] : memref<100000x128xf32, #tpu.memory_space<hbm>> -> memref<100000x128xf32, #tpu.memory_space<hbm>>
    tpu.wait_indirect_dma semaphore(%arg18 : memref<!tpu.dma_semaphore, #tpu.memory_space<semaphore_mem>>) src(%dma_wait3A_48 : memref<100000x128xf32, #tpu.memory_space<hbm>>) dst(%arg10 : memref<200x128xf32, #tpu.memory_space<vmem>>)
    %add3A_49 = arith.constant 200 : i32
    %add3A_50 = arith.addi %mul3A_2, %add3A_49 : i32
    %dma_start3A_51 = arith.constant 0 : i32
    %dma_start3A_52 = tpu.memref_slice %arg4[%add3A_50, %dma_start3A_51] : memref<819200x128xf32, #tpu.memory_space<hbm>> -> memref<200x128xf32, #tpu.memory_space<hbm>>
    %dma_start3A_53 = arith.constant 0 : i32
    %dma_start3A_54 = tpu.memref_slice %arg4[%add3A_50, %dma_start3A_53] : memref<819200x128xf32, #tpu.memory_space<hbm>> -> memref<200x128xf32, #tpu.memory_space<hbm>>
    tpu.enqueue_dma source(%arg10 : memref<200x128xf32, #tpu.memory_space<vmem>>) target(%dma_start3A_54 : memref<200x128xf32, #tpu.memory_space<hbm>>) target_semaphore(%arg22 : memref<!tpu.dma_semaphore, #tpu.memory_space<semaphore_mem>>)
    %add3A_55 = arith.constant 800 : i32
    %add3A_56 = arith.addi %mul3A_2, %add3A_55 : i32
    %dma_start3A_57 = tpu.memref_slice %arg2[%add3A_56] : memref<819200xi32, #tpu.memory_space<hbm>> -> memref<200xi32, #tpu.memory_space<hbm>>
    %dma_start3A_58 = tpu.memref_slice %arg2[%add3A_56] : memref<819200xi32, #tpu.memory_space<hbm>> -> memref<200xi32, #tpu.memory_space<hbm>>
    tpu.enqueue_dma source(%dma_start3A_58 : memref<200xi32, #tpu.memory_space<hbm>>) target(%arg5 : memref<200xi32, #tpu.memory_space<vmem>>) target_semaphore(%arg13 : memref<!tpu.dma_semaphore, #tpu.memory_space<semaphore_mem>>)
    %scan3A = arith.constant 0 : i32
    %scan3A_59 = arith.constant 31 : i32
    %scan3A_60 = arith.addi %scan3A, %scan3A_59 : i32
    %scan3A_61 = arith.constant 1 : i32
    scf.for %scan3A_105 = %scan3A to %scan3A_60 step %scan3A_61  : i32 {
      %mul3A_106 = arith.constant 4 : i32
      %mul3A_107 = arith.muli %scan3A_105, %mul3A_106 : i32
      %add3A_108 = arith.constant 2 : i32
      %add3A_109 = arith.addi %add3A_108, %mul3A_107 : i32
      %add3A_110 = arith.constant 0 : i32
      %add3A_111 = arith.addi %add3A_109, %add3A_110 : i32
      %sub3A = arith.constant 2 : i32
      %sub3A_112 = arith.subi %add3A_111, %sub3A : i32
      %mul3A_113 = arith.constant 200 : i32
      %mul3A_114 = arith.muli %sub3A_112, %mul3A_113 : i32
      %add3A_115 = arith.addi %mul3A_2, %mul3A_114 : i32
      %dma_wait3A_116 = arith.constant 0 : i32
      %dma_wait3A_117 = tpu.memref_slice %arg4[%add3A_115, %dma_wait3A_116] : memref<819200x128xf32, #tpu.memory_space<hbm>> -> memref<200x128xf32, #tpu.memory_space<hbm>>
      %dma_wait3A_118 = arith.constant 0 : i32
      %dma_wait3A_119 = tpu.memref_slice %arg4[%add3A_115, %dma_wait3A_118] : memref<819200x128xf32, #tpu.memory_space<hbm>> -> memref<200x128xf32, #tpu.memory_space<hbm>>
      tpu.wait_dma2 semaphore(%arg21 : memref<!tpu.dma_semaphore, #tpu.memory_space<semaphore_mem>>) src(%arg9 : memref<200x128xf32, #tpu.memory_space<vmem>>) dst(%dma_wait3A_119 : memref<200x128xf32, #tpu.memory_space<hbm>>)
      %dma_wait3A_120 = tpu.memref_slice %arg2[%mul3A_2] : memref<819200xi32, #tpu.memory_space<hbm>> -> memref<200xi32, #tpu.memory_space<hbm>>
      %dma_wait3A_121 = tpu.memref_slice %arg2[%mul3A_2] : memref<819200xi32, #tpu.memory_space<hbm>> -> memref<200xi32, #tpu.memory_space<hbm>>
      tpu.wait_dma2 semaphore(%arg13 : memref<!tpu.dma_semaphore, #tpu.memory_space<semaphore_mem>>) src(%dma_wait3A_121 : memref<200xi32, #tpu.memory_space<hbm>>) dst(%arg5 : memref<200xi32, #tpu.memory_space<vmem>>)
      %dma_start3A_122 = arith.constant 0 : i32
      %dma_start3A_123 = arith.constant 0 : i32
      %dma_start3A_124 = tpu.memref_slice %arg3[%dma_start3A_122, %dma_start3A_123] : memref<100000x128xf32, #tpu.memory_space<hbm>> -> memref<100000x128xf32, #tpu.memory_space<hbm>>
      tpu.enqueue_indirect_dma source(%dma_start3A_124 : memref<100000x128xf32, #tpu.memory_space<hbm>>) target(%arg9 : memref<200x128xf32, #tpu.memory_space<vmem>>) offsets(%arg5 : memref<200xi32, #tpu.memory_space<vmem>>) semaphore(%arg17 : memref<!tpu.dma_semaphore, #tpu.memory_space<semaphore_mem>>)
      %dma_wait3A_125 = arith.constant 0 : i32
      %dma_wait3A_126 = arith.constant 0 : i32
      %dma_wait3A_127 = tpu.memref_slice %arg3[%dma_wait3A_125, %dma_wait3A_126] : memref<100000x128xf32, #tpu.memory_space<hbm>> -> memref<100000x128xf32, #tpu.memory_space<hbm>>
      tpu.wait_indirect_dma semaphore(%arg19 : memref<!tpu.dma_semaphore, #tpu.memory_space<semaphore_mem>>) src(%dma_wait3A_127 : memref<100000x128xf32, #tpu.memory_space<hbm>>) dst(%arg11 : memref<200x128xf32, #tpu.memory_space<vmem>>)
      %mul3A_128 = arith.constant 200 : i32
      %mul3A_129 = arith.muli %add3A_111, %mul3A_128 : i32
      %add3A_130 = arith.addi %mul3A_2, %mul3A_129 : i32
      %dma_start3A_131 = arith.constant 0 : i32
      %dma_start3A_132 = tpu.memref_slice %arg4[%add3A_130, %dma_start3A_131] : memref<819200x128xf32, #tpu.memory_space<hbm>> -> memref<200x128xf32, #tpu.memory_space<hbm>>
      %dma_start3A_133 = arith.constant 0 : i32
      %dma_start3A_134 = tpu.memref_slice %arg4[%add3A_130, %dma_start3A_133] : memref<819200x128xf32, #tpu.memory_space<hbm>> -> memref<200x128xf32, #tpu.memory_space<hbm>>
      tpu.enqueue_dma source(%arg11 : memref<200x128xf32, #tpu.memory_space<vmem>>) target(%dma_start3A_134 : memref<200x128xf32, #tpu.memory_space<hbm>>) target_semaphore(%arg23 : memref<!tpu.dma_semaphore, #tpu.memory_space<semaphore_mem>>)
      %add3A_135 = arith.constant 3 : i32
      %add3A_136 = arith.addi %add3A_111, %add3A_135 : i32
      %lt3A = arith.constant 128 : i32
      %lt3A_137 = arith.cmpi slt, %add3A_136, %lt3A : i32
      %convert_element_type3A = arith.extui %lt3A_137 : i1 to i32
      %cond3A = arith.constant 0 : i32
      %cond3A_138 = arith.cmpi ne, %convert_element_type3A, %cond3A : i32
      scf.if %cond3A_138 {
        %add3A_238 = arith.constant 3 : i32
        %add3A_239 = arith.addi %add3A_111, %add3A_238 : i32
        %mul3A_240 = arith.constant 200 : i32
        %mul3A_241 = arith.muli %add3A_239, %mul3A_240 : i32
        %add3A_242 = arith.addi %mul3A_2, %mul3A_241 : i32
        %dma_start3A_243 = tpu.memref_slice %arg2[%add3A_242] : memref<819200xi32, #tpu.memory_space<hbm>> -> memref<200xi32, #tpu.memory_space<hbm>>
        %dma_start3A_244 = tpu.memref_slice %arg2[%add3A_242] : memref<819200xi32, #tpu.memory_space<hbm>> -> memref<200xi32, #tpu.memory_space<hbm>>
        tpu.enqueue_dma source(%dma_start3A_244 : memref<200xi32, #tpu.memory_space<hbm>>) target(%arg6 : memref<200xi32, #tpu.memory_space<vmem>>) target_semaphore(%arg14 : memref<!tpu.dma_semaphore, #tpu.memory_space<semaphore_mem>>)
      } else {
      }
      %add3A_139 = arith.constant 1 : i32
      %add3A_140 = arith.addi %add3A_109, %add3A_139 : i32
      %sub3A_141 = arith.constant 2 : i32
      %sub3A_142 = arith.subi %add3A_140, %sub3A_141 : i32
      %mul3A_143 = arith.constant 200 : i32
      %mul3A_144 = arith.muli %sub3A_142, %mul3A_143 : i32
      %add3A_145 = arith.addi %mul3A_2, %mul3A_144 : i32
      %dma_wait3A_146 = arith.constant 0 : i32
      %dma_wait3A_147 = tpu.memref_slice %arg4[%add3A_145, %dma_wait3A_146] : memref<819200x128xf32, #tpu.memory_space<hbm>> -> memref<200x128xf32, #tpu.memory_space<hbm>>
      %dma_wait3A_148 = arith.constant 0 : i32
      %dma_wait3A_149 = tpu.memref_slice %arg4[%add3A_145, %dma_wait3A_148] : memref<819200x128xf32, #tpu.memory_space<hbm>> -> memref<200x128xf32, #tpu.memory_space<hbm>>
      tpu.wait_dma2 semaphore(%arg22 : memref<!tpu.dma_semaphore, #tpu.memory_space<semaphore_mem>>) src(%arg10 : memref<200x128xf32, #tpu.memory_space<vmem>>) dst(%dma_wait3A_149 : memref<200x128xf32, #tpu.memory_space<hbm>>)
      %dma_wait3A_150 = tpu.memref_slice %arg2[%mul3A_2] : memref<819200xi32, #tpu.memory_space<hbm>> -> memref<200xi32, #tpu.memory_space<hbm>>
      %dma_wait3A_151 = tpu.memref_slice %arg2[%mul3A_2] : memref<819200xi32, #tpu.memory_space<hbm>> -> memref<200xi32, #tpu.memory_space<hbm>>
      tpu.wait_dma2 semaphore(%arg14 : memref<!tpu.dma_semaphore, #tpu.memory_space<semaphore_mem>>) src(%dma_wait3A_151 : memref<200xi32, #tpu.memory_space<hbm>>) dst(%arg6 : memref<200xi32, #tpu.memory_space<vmem>>)
      %dma_start3A_152 = arith.constant 0 : i32
      %dma_start3A_153 = arith.constant 0 : i32
      %dma_start3A_154 = tpu.memref_slice %arg3[%dma_start3A_152, %dma_start3A_153] : memref<100000x128xf32, #tpu.memory_space<hbm>> -> memref<100000x128xf32, #tpu.memory_space<hbm>>
      tpu.enqueue_indirect_dma source(%dma_start3A_154 : memref<100000x128xf32, #tpu.memory_space<hbm>>) target(%arg10 : memref<200x128xf32, #tpu.memory_space<vmem>>) offsets(%arg6 : memref<200xi32, #tpu.memory_space<vmem>>) semaphore(%arg18 : memref<!tpu.dma_semaphore, #tpu.memory_space<semaphore_mem>>)
      %dma_wait3A_155 = arith.constant 0 : i32
      %dma_wait3A_156 = arith.constant 0 : i32
      %dma_wait3A_157 = tpu.memref_slice %arg3[%dma_wait3A_155, %dma_wait3A_156] : memref<100000x128xf32, #tpu.memory_space<hbm>> -> memref<100000x128xf32, #tpu.memory_space<hbm>>
      tpu.wait_indirect_dma semaphore(%arg20 : memref<!tpu.dma_semaphore, #tpu.memory_space<semaphore_mem>>) src(%dma_wait3A_157 : memref<100000x128xf32, #tpu.memory_space<hbm>>) dst(%arg12 : memref<200x128xf32, #tpu.memory_space<vmem>>)
      %mul3A_158 = arith.constant 200 : i32
      %mul3A_159 = arith.muli %add3A_140, %mul3A_158 : i32
      %add3A_160 = arith.addi %mul3A_2, %mul3A_159 : i32
      %dma_start3A_161 = arith.constant 0 : i32
      %dma_start3A_162 = tpu.memref_slice %arg4[%add3A_160, %dma_start3A_161] : memref<819200x128xf32, #tpu.memory_space<hbm>> -> memref<200x128xf32, #tpu.memory_space<hbm>>
      %dma_start3A_163 = arith.constant 0 : i32
      %dma_start3A_164 = tpu.memref_slice %arg4[%add3A_160, %dma_start3A_163] : memref<819200x128xf32, #tpu.memory_space<hbm>> -> memref<200x128xf32, #tpu.memory_space<hbm>>
      tpu.enqueue_dma source(%arg12 : memref<200x128xf32, #tpu.memory_space<vmem>>) target(%dma_start3A_164 : memref<200x128xf32, #tpu.memory_space<hbm>>) target_semaphore(%arg24 : memref<!tpu.dma_semaphore, #tpu.memory_space<semaphore_mem>>)
      %add3A_165 = arith.constant 3 : i32
      %add3A_166 = arith.addi %add3A_140, %add3A_165 : i32
      %lt3A_167 = arith.constant 128 : i32
      %lt3A_168 = arith.cmpi slt, %add3A_166, %lt3A_167 : i32
      %convert_element_type3A_169 = arith.extui %lt3A_168 : i1 to i32
      %cond3A_170 = arith.constant 0 : i32
      %cond3A_171 = arith.cmpi ne, %convert_element_type3A_169, %cond3A_170 : i32
      scf.if %cond3A_171 {
        %add3A_238 = arith.constant 3 : i32
        %add3A_239 = arith.addi %add3A_140, %add3A_238 : i32
        %mul3A_240 = arith.constant 200 : i32
        %mul3A_241 = arith.muli %add3A_239, %mul3A_240 : i32
        %add3A_242 = arith.addi %mul3A_2, %mul3A_241 : i32
        %dma_start3A_243 = tpu.memref_slice %arg2[%add3A_242] : memref<819200xi32, #tpu.memory_space<hbm>> -> memref<200xi32, #tpu.memory_space<hbm>>
        %dma_start3A_244 = tpu.memref_slice %arg2[%add3A_242] : memref<819200xi32, #tpu.memory_space<hbm>> -> memref<200xi32, #tpu.memory_space<hbm>>
        tpu.enqueue_dma source(%dma_start3A_244 : memref<200xi32, #tpu.memory_space<hbm>>) target(%arg7 : memref<200xi32, #tpu.memory_space<vmem>>) target_semaphore(%arg15 : memref<!tpu.dma_semaphore, #tpu.memory_space<semaphore_mem>>)
      } else {
      }
      %add3A_172 = arith.constant 2 : i32
      %add3A_173 = arith.addi %add3A_109, %add3A_172 : i32
      %sub3A_174 = arith.constant 2 : i32
      %sub3A_175 = arith.subi %add3A_173, %sub3A_174 : i32
      %mul3A_176 = arith.constant 200 : i32
      %mul3A_177 = arith.muli %sub3A_175, %mul3A_176 : i32
      %add3A_178 = arith.addi %mul3A_2, %mul3A_177 : i32
      %dma_wait3A_179 = arith.constant 0 : i32
      %dma_wait3A_180 = tpu.memref_slice %arg4[%add3A_178, %dma_wait3A_179] : memref<819200x128xf32, #tpu.memory_space<hbm>> -> memref<200x128xf32, #tpu.memory_space<hbm>>
      %dma_wait3A_181 = arith.constant 0 : i32
      %dma_wait3A_182 = tpu.memref_slice %arg4[%add3A_178, %dma_wait3A_181] : memref<819200x128xf32, #tpu.memory_space<hbm>> -> memref<200x128xf32, #tpu.memory_space<hbm>>
      tpu.wait_dma2 semaphore(%arg23 : memref<!tpu.dma_semaphore, #tpu.memory_space<semaphore_mem>>) src(%arg11 : memref<200x128xf32, #tpu.memory_space<vmem>>) dst(%dma_wait3A_182 : memref<200x128xf32, #tpu.memory_space<hbm>>)
      %dma_wait3A_183 = tpu.memref_slice %arg2[%mul3A_2] : memref<819200xi32, #tpu.memory_space<hbm>> -> memref<200xi32, #tpu.memory_space<hbm>>
      %dma_wait3A_184 = tpu.memref_slice %arg2[%mul3A_2] : memref<819200xi32, #tpu.memory_space<hbm>> -> memref<200xi32, #tpu.memory_space<hbm>>
      tpu.wait_dma2 semaphore(%arg15 : memref<!tpu.dma_semaphore, #tpu.memory_space<semaphore_mem>>) src(%dma_wait3A_184 : memref<200xi32, #tpu.memory_space<hbm>>) dst(%arg7 : memref<200xi32, #tpu.memory_space<vmem>>)
      %dma_start3A_185 = arith.constant 0 : i32
      %dma_start3A_186 = arith.constant 0 : i32
      %dma_start3A_187 = tpu.memref_slice %arg3[%dma_start3A_185, %dma_start3A_186] : memref<100000x128xf32, #tpu.memory_space<hbm>> -> memref<100000x128xf32, #tpu.memory_space<hbm>>
      tpu.enqueue_indirect_dma source(%dma_start3A_187 : memref<100000x128xf32, #tpu.memory_space<hbm>>) target(%arg11 : memref<200x128xf32, #tpu.memory_space<vmem>>) offsets(%arg7 : memref<200xi32, #tpu.memory_space<vmem>>) semaphore(%arg19 : memref<!tpu.dma_semaphore, #tpu.memory_space<semaphore_mem>>)
      %dma_wait3A_188 = arith.constant 0 : i32
      %dma_wait3A_189 = arith.constant 0 : i32
      %dma_wait3A_190 = tpu.memref_slice %arg3[%dma_wait3A_188, %dma_wait3A_189] : memref<100000x128xf32, #tpu.memory_space<hbm>> -> memref<100000x128xf32, #tpu.memory_space<hbm>>
      tpu.wait_indirect_dma semaphore(%arg17 : memref<!tpu.dma_semaphore, #tpu.memory_space<semaphore_mem>>) src(%dma_wait3A_190 : memref<100000x128xf32, #tpu.memory_space<hbm>>) dst(%arg9 : memref<200x128xf32, #tpu.memory_space<vmem>>)
      %mul3A_191 = arith.constant 200 : i32
      %mul3A_192 = arith.muli %add3A_173, %mul3A_191 : i32
      %add3A_193 = arith.addi %mul3A_2, %mul3A_192 : i32
      %dma_start3A_194 = arith.constant 0 : i32
      %dma_start3A_195 = tpu.memref_slice %arg4[%add3A_193, %dma_start3A_194] : memref<819200x128xf32, #tpu.memory_space<hbm>> -> memref<200x128xf32, #tpu.memory_space<hbm>>
      %dma_start3A_196 = arith.constant 0 : i32
      %dma_start3A_197 = tpu.memref_slice %arg4[%add3A_193, %dma_start3A_196] : memref<819200x128xf32, #tpu.memory_space<hbm>> -> memref<200x128xf32, #tpu.memory_space<hbm>>
      tpu.enqueue_dma source(%arg9 : memref<200x128xf32, #tpu.memory_space<vmem>>) target(%dma_start3A_197 : memref<200x128xf32, #tpu.memory_space<hbm>>) target_semaphore(%arg21 : memref<!tpu.dma_semaphore, #tpu.memory_space<semaphore_mem>>)
      %add3A_198 = arith.constant 3 : i32
      %add3A_199 = arith.addi %add3A_173, %add3A_198 : i32
      %lt3A_200 = arith.constant 128 : i32
      %lt3A_201 = arith.cmpi slt, %add3A_199, %lt3A_200 : i32
      %convert_element_type3A_202 = arith.extui %lt3A_201 : i1 to i32
      %cond3A_203 = arith.constant 0 : i32
      %cond3A_204 = arith.cmpi ne, %convert_element_type3A_202, %cond3A_203 : i32
      scf.if %cond3A_204 {
        %add3A_238 = arith.constant 3 : i32
        %add3A_239 = arith.addi %add3A_173, %add3A_238 : i32
        %mul3A_240 = arith.constant 200 : i32
        %mul3A_241 = arith.muli %add3A_239, %mul3A_240 : i32
        %add3A_242 = arith.addi %mul3A_2, %mul3A_241 : i32
        %dma_start3A_243 = tpu.memref_slice %arg2[%add3A_242] : memref<819200xi32, #tpu.memory_space<hbm>> -> memref<200xi32, #tpu.memory_space<hbm>>
        %dma_start3A_244 = tpu.memref_slice %arg2[%add3A_242] : memref<819200xi32, #tpu.memory_space<hbm>> -> memref<200xi32, #tpu.memory_space<hbm>>
        tpu.enqueue_dma source(%dma_start3A_244 : memref<200xi32, #tpu.memory_space<hbm>>) target(%arg8 : memref<200xi32, #tpu.memory_space<vmem>>) target_semaphore(%arg16 : memref<!tpu.dma_semaphore, #tpu.memory_space<semaphore_mem>>)
      } else {
      }
      %add3A_205 = arith.constant 3 : i32
      %add3A_206 = arith.addi %add3A_109, %add3A_205 : i32
      %sub3A_207 = arith.constant 2 : i32
      %sub3A_208 = arith.subi %add3A_206, %sub3A_207 : i32
      %mul3A_209 = arith.constant 200 : i32
      %mul3A_210 = arith.muli %sub3A_208, %mul3A_209 : i32
      %add3A_211 = arith.addi %mul3A_2, %mul3A_210 : i32
      %dma_wait3A_212 = arith.constant 0 : i32
      %dma_wait3A_213 = tpu.memref_slice %arg4[%add3A_211, %dma_wait3A_212] : memref<819200x128xf32, #tpu.memory_space<hbm>> -> memref<200x128xf32, #tpu.memory_space<hbm>>
      %dma_wait3A_214 = arith.constant 0 : i32
      %dma_wait3A_215 = tpu.memref_slice %arg4[%add3A_211, %dma_wait3A_214] : memref<819200x128xf32, #tpu.memory_space<hbm>> -> memref<200x128xf32, #tpu.memory_space<hbm>>
      tpu.wait_dma2 semaphore(%arg24 : memref<!tpu.dma_semaphore, #tpu.memory_space<semaphore_mem>>) src(%arg12 : memref<200x128xf32, #tpu.memory_space<vmem>>) dst(%dma_wait3A_215 : memref<200x128xf32, #tpu.memory_space<hbm>>)
      %dma_wait3A_216 = tpu.memref_slice %arg2[%mul3A_2] : memref<819200xi32, #tpu.memory_space<hbm>> -> memref<200xi32, #tpu.memory_space<hbm>>
      %dma_wait3A_217 = tpu.memref_slice %arg2[%mul3A_2] : memref<819200xi32, #tpu.memory_space<hbm>> -> memref<200xi32, #tpu.memory_space<hbm>>
      tpu.wait_dma2 semaphore(%arg16 : memref<!tpu.dma_semaphore, #tpu.memory_space<semaphore_mem>>) src(%dma_wait3A_217 : memref<200xi32, #tpu.memory_space<hbm>>) dst(%arg8 : memref<200xi32, #tpu.memory_space<vmem>>)
      %dma_start3A_218 = arith.constant 0 : i32
      %dma_start3A_219 = arith.constant 0 : i32
      %dma_start3A_220 = tpu.memref_slice %arg3[%dma_start3A_218, %dma_start3A_219] : memref<100000x128xf32, #tpu.memory_space<hbm>> -> memref<100000x128xf32, #tpu.memory_space<hbm>>
      tpu.enqueue_indirect_dma source(%dma_start3A_220 : memref<100000x128xf32, #tpu.memory_space<hbm>>) target(%arg12 : memref<200x128xf32, #tpu.memory_space<vmem>>) offsets(%arg8 : memref<200xi32, #tpu.memory_space<vmem>>) semaphore(%arg20 : memref<!tpu.dma_semaphore, #tpu.memory_space<semaphore_mem>>)
      %dma_wait3A_221 = arith.constant 0 : i32
      %dma_wait3A_222 = arith.constant 0 : i32
      %dma_wait3A_223 = tpu.memref_slice %arg3[%dma_wait3A_221, %dma_wait3A_222] : memref<100000x128xf32, #tpu.memory_space<hbm>> -> memref<100000x128xf32, #tpu.memory_space<hbm>>
      tpu.wait_indirect_dma semaphore(%arg18 : memref<!tpu.dma_semaphore, #tpu.memory_space<semaphore_mem>>) src(%dma_wait3A_223 : memref<100000x128xf32, #tpu.memory_space<hbm>>) dst(%arg10 : memref<200x128xf32, #tpu.memory_space<vmem>>)
      %mul3A_224 = arith.constant 200 : i32
      %mul3A_225 = arith.muli %add3A_206, %mul3A_224 : i32
      %add3A_226 = arith.addi %mul3A_2, %mul3A_225 : i32
      %dma_start3A_227 = arith.constant 0 : i32
      %dma_start3A_228 = tpu.memref_slice %arg4[%add3A_226, %dma_start3A_227] : memref<819200x128xf32, #tpu.memory_space<hbm>> -> memref<200x128xf32, #tpu.memory_space<hbm>>
      %dma_start3A_229 = arith.constant 0 : i32
      %dma_start3A_230 = tpu.memref_slice %arg4[%add3A_226, %dma_start3A_229] : memref<819200x128xf32, #tpu.memory_space<hbm>> -> memref<200x128xf32, #tpu.memory_space<hbm>>
      tpu.enqueue_dma source(%arg10 : memref<200x128xf32, #tpu.memory_space<vmem>>) target(%dma_start3A_230 : memref<200x128xf32, #tpu.memory_space<hbm>>) target_semaphore(%arg22 : memref<!tpu.dma_semaphore, #tpu.memory_space<semaphore_mem>>)
      %add3A_231 = arith.constant 3 : i32
      %add3A_232 = arith.addi %add3A_206, %add3A_231 : i32
      %lt3A_233 = arith.constant 128 : i32
      %lt3A_234 = arith.cmpi slt, %add3A_232, %lt3A_233 : i32
      %convert_element_type3A_235 = arith.extui %lt3A_234 : i1 to i32
      %cond3A_236 = arith.constant 0 : i32
      %cond3A_237 = arith.cmpi ne, %convert_element_type3A_235, %cond3A_236 : i32
      scf.if %cond3A_237 {
        %add3A_238 = arith.constant 3 : i32
        %add3A_239 = arith.addi %add3A_206, %add3A_238 : i32
        %mul3A_240 = arith.constant 200 : i32
        %mul3A_241 = arith.muli %add3A_239, %mul3A_240 : i32
        %add3A_242 = arith.addi %mul3A_2, %mul3A_241 : i32
        %dma_start3A_243 = tpu.memref_slice %arg2[%add3A_242] : memref<819200xi32, #tpu.memory_space<hbm>> -> memref<200xi32, #tpu.memory_space<hbm>>
        %dma_start3A_244 = tpu.memref_slice %arg2[%add3A_242] : memref<819200xi32, #tpu.memory_space<hbm>> -> memref<200xi32, #tpu.memory_space<hbm>>
        tpu.enqueue_dma source(%dma_start3A_244 : memref<200xi32, #tpu.memory_space<hbm>>) target(%arg5 : memref<200xi32, #tpu.memory_space<vmem>>) target_semaphore(%arg13 : memref<!tpu.dma_semaphore, #tpu.memory_space<semaphore_mem>>)
      } else {
      }
    }
    %scan3A_62 = arith.constant 31 : i32
    %dma_wait3A_63 = arith.constant 0 : i32
    %dma_wait3A_64 = arith.constant 0 : i32
    %dma_wait3A_65 = tpu.memref_slice %arg3[%dma_wait3A_63, %dma_wait3A_64] : memref<100000x128xf32, #tpu.memory_space<hbm>> -> memref<100000x128xf32, #tpu.memory_space<hbm>>
    tpu.wait_indirect_dma semaphore(%arg19 : memref<!tpu.dma_semaphore, #tpu.memory_space<semaphore_mem>>) src(%dma_wait3A_65 : memref<100000x128xf32, #tpu.memory_space<hbm>>) dst(%arg11 : memref<200x128xf32, #tpu.memory_space<vmem>>)
    %add3A_66 = arith.constant 25200 : i32
    %add3A_67 = arith.addi %mul3A_2, %add3A_66 : i32
    %dma_start3A_68 = arith.constant 0 : i32
    %dma_start3A_69 = tpu.memref_slice %arg4[%add3A_67, %dma_start3A_68] : memref<819200x128xf32, #tpu.memory_space<hbm>> -> memref<200x128xf32, #tpu.memory_space<hbm>>
    %dma_start3A_70 = arith.constant 0 : i32
    %dma_start3A_71 = tpu.memref_slice %arg4[%add3A_67, %dma_start3A_70] : memref<819200x128xf32, #tpu.memory_space<hbm>> -> memref<200x128xf32, #tpu.memory_space<hbm>>
    tpu.enqueue_dma source(%arg11 : memref<200x128xf32, #tpu.memory_space<vmem>>) target(%dma_start3A_71 : memref<200x128xf32, #tpu.memory_space<hbm>>) target_semaphore(%arg23 : memref<!tpu.dma_semaphore, #tpu.memory_space<semaphore_mem>>)
    %dma_wait3A_72 = arith.constant 0 : i32
    %dma_wait3A_73 = arith.constant 0 : i32
    %dma_wait3A_74 = tpu.memref_slice %arg3[%dma_wait3A_72, %dma_wait3A_73] : memref<100000x128xf32, #tpu.memory_space<hbm>> -> memref<100000x128xf32, #tpu.memory_space<hbm>>
    tpu.wait_indirect_dma semaphore(%arg20 : memref<!tpu.dma_semaphore, #tpu.memory_space<semaphore_mem>>) src(%dma_wait3A_74 : memref<100000x128xf32, #tpu.memory_space<hbm>>) dst(%arg12 : memref<200x128xf32, #tpu.memory_space<vmem>>)
    %add3A_75 = arith.constant 25400 : i32
    %add3A_76 = arith.addi %mul3A_2, %add3A_75 : i32
    %dma_start3A_77 = arith.constant 0 : i32
    %dma_start3A_78 = tpu.memref_slice %arg4[%add3A_76, %dma_start3A_77] : memref<819200x128xf32, #tpu.memory_space<hbm>> -> memref<200x128xf32, #tpu.memory_space<hbm>>
    %dma_start3A_79 = arith.constant 0 : i32
    %dma_start3A_80 = tpu.memref_slice %arg4[%add3A_76, %dma_start3A_79] : memref<819200x128xf32, #tpu.memory_space<hbm>> -> memref<200x128xf32, #tpu.memory_space<hbm>>
    tpu.enqueue_dma source(%arg12 : memref<200x128xf32, #tpu.memory_space<vmem>>) target(%dma_start3A_80 : memref<200x128xf32, #tpu.memory_space<hbm>>) target_semaphore(%arg24 : memref<!tpu.dma_semaphore, #tpu.memory_space<semaphore_mem>>)
    %add3A_81 = arith.constant 24800 : i32
    %add3A_82 = arith.addi %mul3A_2, %add3A_81 : i32
    %dma_wait3A_83 = arith.constant 0 : i32
    %dma_wait3A_84 = tpu.memref_slice %arg4[%add3A_82, %dma_wait3A_83] : memref<819200x128xf32, #tpu.memory_space<hbm>> -> memref<200x128xf32, #tpu.memory_space<hbm>>
    %dma_wait3A_85 = arith.constant 0 : i32
    %dma_wait3A_86 = tpu.memref_slice %arg4[%add3A_82, %dma_wait3A_85] : memref<819200x128xf32, #tpu.memory_space<hbm>> -> memref<200x128xf32, #tpu.memory_space<hbm>>
    tpu.wait_dma2 semaphore(%arg21 : memref<!tpu.dma_semaphore, #tpu.memory_space<semaphore_mem>>) src(%arg9 : memref<200x128xf32, #tpu.memory_space<vmem>>) dst(%dma_wait3A_86 : memref<200x128xf32, #tpu.memory_space<hbm>>)
    %add3A_87 = arith.constant 25000 : i32
    %add3A_88 = arith.addi %mul3A_2, %add3A_87 : i32
    %dma_wait3A_89 = arith.constant 0 : i32
    %dma_wait3A_90 = tpu.memref_slice %arg4[%add3A_88, %dma_wait3A_89] : memref<819200x128xf32, #tpu.memory_space<hbm>> -> memref<200x128xf32, #tpu.memory_space<hbm>>
    %dma_wait3A_91 = arith.constant 0 : i32
    %dma_wait3A_92 = tpu.memref_slice %arg4[%add3A_88, %dma_wait3A_91] : memref<819200x128xf32, #tpu.memory_space<hbm>> -> memref<200x128xf32, #tpu.memory_space<hbm>>
    tpu.wait_dma2 semaphore(%arg22 : memref<!tpu.dma_semaphore, #tpu.memory_space<semaphore_mem>>) src(%arg10 : memref<200x128xf32, #tpu.memory_space<vmem>>) dst(%dma_wait3A_92 : memref<200x128xf32, #tpu.memory_space<hbm>>)
    %add3A_93 = arith.constant 25200 : i32
    %add3A_94 = arith.addi %mul3A_2, %add3A_93 : i32
    %dma_wait3A_95 = arith.constant 0 : i32
    %dma_wait3A_96 = tpu.memref_slice %arg4[%add3A_94, %dma_wait3A_95] : memref<819200x128xf32, #tpu.memory_space<hbm>> -> memref<200x128xf32, #tpu.memory_space<hbm>>
    %dma_wait3A_97 = arith.constant 0 : i32
    %dma_wait3A_98 = tpu.memref_slice %arg4[%add3A_94, %dma_wait3A_97] : memref<819200x128xf32, #tpu.memory_space<hbm>> -> memref<200x128xf32, #tpu.memory_space<hbm>>
    tpu.wait_dma2 semaphore(%arg23 : memref<!tpu.dma_semaphore, #tpu.memory_space<semaphore_mem>>) src(%arg11 : memref<200x128xf32, #tpu.memory_space<vmem>>) dst(%dma_wait3A_98 : memref<200x128xf32, #tpu.memory_space<hbm>>)
    %add3A_99 = arith.constant 25400 : i32
    %add3A_100 = arith.addi %mul3A_2, %add3A_99 : i32
    %dma_wait3A_101 = arith.constant 0 : i32
    %dma_wait3A_102 = tpu.memref_slice %arg4[%add3A_100, %dma_wait3A_101] : memref<819200x128xf32, #tpu.memory_space<hbm>> -> memref<200x128xf32, #tpu.memory_space<hbm>>
    %dma_wait3A_103 = arith.constant 0 : i32
    %dma_wait3A_104 = tpu.memref_slice %arg4[%add3A_100, %dma_wait3A_103] : memref<819200x128xf32, #tpu.memory_space<hbm>> -> memref<200x128xf32, #tpu.memory_space<hbm>>
    tpu.wait_dma2 semaphore(%arg24 : memref<!tpu.dma_semaphore, #tpu.memory_space<semaphore_mem>>) src(%arg12 : memref<200x128xf32, #tpu.memory_space<vmem>>) dst(%dma_wait3A_104 : memref<200x128xf32, #tpu.memory_space<hbm>>)
    return
  }
}

</mosaic_0001>

<sc_bundles>
// kernel: kernel.3.cloned.1.call-start
scs
__scs_entry_jumppad:
0x0: {  	(pc) =	sbr.rel $0x88, $3  }
0x1: {  	(tag) =	ssettag $0x0;
	lr =	simm.s32 $0x1  }
0x2: {  	[smem:$0x3F9F] =	sst lr;
	_ =	strace $0xD0000000  }
0x3: {  	_ = 	snop  }
0x4: {  	_ = 	snop  }
0x5: {  	_ = 	snop  }
0x6: {  	_ = 	snop  }
0x7: {  	_ = 	snop  }
__scs_overlays_trampoline_lowered:
0x8: {  	[smem:$0x3FAE] =	sst s0  }
0x9: {  	[smem:$0x3FAF] =	sst s1  }
0xa: {  	[smem:$0x3FB0] =	sst s2  }
0xb: {  	[smem:$0x3FB1] =	sst s3  }
0xc: {  	[smem:$0x3FB2] =	sst s4  }
0xd: {  	[smem:$0x3FB3] =	sst s5  }
0xe: {  	[smem:$0x3FB4] =	sst s6  }
0xf: {  	[smem:$0x3FB5] =	sst s7  }
0x10: {  	[smem:$0x3FB6] =	sst s8  }
0x11: {  	[smem:$0x3FB7] =	sst s9;
	s0 =	simm.s32 @!p0 $0x0  }
0x12: {  	s1 =	sld [smem:$0x3F9D];
	s0 =	simm.s32 @p0 $0x1  }
0x13: {  	[smem:$0x3FB8] =	sst s0;
	s0 =	simm.s32 @!p1 $0x0  }
0x14: {  	s2 =	sld [smem:$0x3F9C];
	s0 =	simm.s32 @p1 $0x1  }
0x15: {  	[smem:$0x3FB9] =	sst s0;
	s0 =	simm.s32 @!p2 $0x0  }
0x16: {  	s3 =	sld [smem:$0x3FDB];
	s0 =	simm.s32 @p2 $0x1  }
0x17: {  	s4 =	simm.s32 $0x1BF5;
	[smem:$0x3FBB] =	sst s0  }
0x18: {  	s0 =	sld [smem:$0x3F9E];
	_ =	swait.ge [sflag:s4], $0x0  }
0x19: {  	s7 =	sld [smem:$0x3F9F]  }
0x1a: {  	s8 =	sadd.s32 $0xFFFFE003, lr  }
0x1b: {  	s9 =	sadd.s32 $0xFFFFFEF7, lr;
	s5 =	simm.s32 $0xFFFFFFFF;
	p2 =	slt.u32 s8, $0xFFFFF086  }
0x1c: {  	p1 =	slt.u32 s9, $0xF7A;
	s5 =	simm.s32 @!p2 $0x0  }
0x1d: {  	s5 =	simm.s32 @p1 $0x1;
	p0 =	seq.s32 s7, s2  }
0x1e: {  	s7 =	smul.u32 @!p0 $0xF7A, s2;
	p2 =	seq.s32 @!p0 s5, $0x0  }
0x1f: {  	s9 =	smul.u32 $0xF7A, s1;
	s8 =	simm.s32 @!p0 $0x1BF5;
	p2 =	por !p2, p0  }
0x20: {  	[sflag:s8] =	ssyncset.s32 @!p0 $0xFFFFF086;
	s6 =	sadd.s32 @!p0 s3, s7;
	s7 =	simm.s32 @!p0 $0x108  }
0x21: {  	s3 =	sadd.s32 s3, s9;
	s6 =	sadd.s32 @!p0 $0x88, s6;
	s7 =	simm.s32 @p2 $0x1082  }
0x22: {  	[simem:s7], [sflag:s8] =	dma.local @!p0 [hbm:s6], $0xF7A  }
0x23: {  	s9 =	sor.u32 $0xD0000000, s2;
	s6 =	simm.s32 $0x108;
	_ =	swait.ge @!p0 [sflag:s8], $0x0  }
0x24: {  	s3 =	sadd.s32 $0x88, s3;
	s6 =	simm.s32 @!p1 $0x1082;
	[sflag:s4] =	ssyncset.s32 $0xFFFFF086  }
0x25: {  	[simem:s6], [sflag:s4] =	dma.local [hbm:s3], $0xF7A  }
0x26: {  	[smem:$0x3F9F] =	sst s1;
	(tag) =	ssettag s2;
	_ =	strace s9  }
0x27: {  	s1 =	sld [smem:$0x3FAF]  }
0x28: {  	s2 =	sld [smem:$0x3FB0]  }
0x29: {  	s4 =	sld [smem:$0x3FB2]  }
0x2a: {  	p0 =	seq.s32 s5, $0x0;
	s5 =	sld [smem:$0x3FB3]  }
0x2b: {  	s6 =	sld [smem:$0x3FB4]  }
0x2c: {  	s7 =	sld [smem:$0x3FB5]  }
0x2d: {  	s3 =	simm.s32 $0x108;
	s8 =	sld [smem:$0x3FB6]  }
0x2e: {  	s3 =	simm.s32 @!p0 $0x1082;
	s9 =	sld [smem:$0x3FB7]  }
0x2f: {  	lr =	sadd.s32 s0, s3;
	s0 =	sld [smem:$0x3FAE]  }
0x30: {  	s3 =	sld [smem:$0x3FB1]  }
0x31: {  	[smem:$0x3FBA] =	sst s10  }
0x32: {  	s10 =	sld [smem:$0x3FB8];
	_ =	sdelay $0x3  }
0x33: {  	p0 =	seq.s32 s10, $0x1;
	s10 =	sld [smem:$0x3FBA];
	_ =	sdelay $0x3  }
0x34: {  	[smem:$0x3FBA] =	sst s10  }
0x35: {  	s10 =	sld [smem:$0x3FB9];
	_ =	sdelay $0x3  }
0x36: {  	p1 =	seq.s32 s10, $0x1;
	s10 =	sld [smem:$0x3FBA];
	_ =	sdelay $0x3  }
0x37: {  	[smem:$0x3FBA] =	sst s10  }
0x38: {  	s10 =	sld [smem:$0x3FBB]  }
0x39: {  	_ = 	snop;
	(pc) =	sbr.ind lr, $3  }
0x3a: {  	_ = 	snop  }
0x3b: {  	_ = 	snop  }
0x3c: {  	p2 =	seq.s32 s10, $0x1;
	s10 =	sld [smem:$0x3FBA]  }
0x3d: {  	_ =	shalt  }
0x3e: {  	_ =	shalt  }
0x3f: {  	_ =	shalt  }
0x40: {  	_ =	shalt  }
0x41: {  	_ =	shalt  }
0x42: {  	_ =	shalt  }
0x43: {  	_ =	shalt  }
0x44: {  	_ =	shalt  }
0x45: {  	_ =	shalt  }
0x46: {  	_ =	shalt  }
0x47: {  	_ =	shalt  }
0x48: {  	_ =	shalt  }
0x49: {  	_ =	shalt  }
0x4a: {  	_ =	shalt  }
0x4b: {  	_ =	shalt  }
0x4c: {  	_ =	shalt  }
0x4d: {  	_ =	shalt  }
0x4e: {  	_ =	shalt  }
0x4f: {  	_ =	shalt  }
0x50: {  	_ =	shalt  }
0x51: {  	_ =	shalt  }
0x52: {  	_ =	shalt  }
0x53: {  	_ =	shalt  }
0x54: {  	_ =	shalt  }
0x55: {  	_ =	shalt  }
0x56: {  	_ =	shalt  }
0x57: {  	_ =	shalt  }
0x58: {  	_ =	shalt  }
0x59: {  	_ =	shalt  }
0x5a: {  	_ =	shalt  }
0x5b: {  	_ =	shalt  }
0x5c: {  	_ =	shalt  }
0x5d: {  	_ =	shalt  }
0x5e: {  	_ =	shalt  }
0x5f: {  	_ =	shalt  }
0x60: {  	_ =	shalt  }
0x61: {  	_ =	shalt  }
0x62: {  	_ =	shalt  }
0x63: {  	_ =	shalt  }
0x64: {  	_ =	shalt  }
0x65: {  	_ =	shalt  }
0x66: {  	_ =	shalt  }
0x67: {  	_ =	shalt  }
0x68: {  	_ =	shalt  }
0x69: {  	_ =	shalt  }
0x6a: {  	_ =	shalt  }
0x6b: {  	_ =	shalt  }
0x6c: {  	_ =	shalt  }
0x6d: {  	_ =	shalt  }
0x6e: {  	_ =	shalt  }
0x6f: {  	_ =	shalt  }
0x70: {  	_ =	shalt  }
0x71: {  	_ =	shalt  }
0x72: {  	_ =	shalt  }
0x73: {  	_ =	shalt  }
0x74: {  	_ =	shalt  }
0x75: {  	_ =	shalt  }
0x76: {  	_ =	shalt  }
0x77: {  	_ =	shalt  }
0x78: {  	_ =	shalt  }
0x79: {  	_ =	shalt  }
0x7a: {  	_ =	shalt  }
0x7b: {  	_ =	shalt  }
0x7c: {  	_ =	shalt  }
0x7d: {  	_ =	shalt  }
0x7e: {  	_ =	shalt  }
0x7f: {  	_ =	shalt  }
0x80: {  	_ =	shalt  }
0x81: {  	_ =	shalt  }
0x82: {  	_ =	shalt  }
0x83: {  	_ =	shalt  }
0x84: {  	_ =	shalt  }
0x85: {  	_ =	shalt  }
0x86: {  	_ =	shalt  }
0x87: {  	_ =	shalt  }
.Lfunc_end0:
.L_simem_size_0:
called_computation_lowered:
.L_overlay_start_0:
0x88: {  	s2 =	sld [smem:$0x3FD9]  }
0x89: {  	s3 =	sld [smem:$0x3FFE];
	_ =	sdelay $0x1  }
0x8a: {  	s1 =	srdreg.scid  }
0x8b: {  	s0 =	sand.u32 $0x1, s1  }
0x8c: {  	s17 =	sshll.u32 s0, $0xA;
	s2 =	sadd.s32 s3, s2  }
0x8d: {  	s2 =	sadd.s32 s2, s17  }
0x8e: {  	[smem:$0x3FC6] =	sst s2  }
0x8f: {  	_ = 	snop  }
0x90: {  	s2 =	sld [smem:$0x3FC8]  }
0x91: {  	s18 =	sld [smem:$0x3FD0];
	(tm) =	ssettm $0x1  }
0x92: {  	s4 =	sld [smem:$0x3FFB];
	_ =	sdelay $0x3  }
0x93: {  	_ =	strace s4  }
0x94: {  	s4 =	sld [smem:$0x3FFC];
	_ =	sdelay $0x3  }
0x95: {  	_ =	strace s4  }
0x96: {  	s4 =	sld [smem:$0x3FFD];
	_ =	sdelay $0x3  }
0x97: {  	_ =	strace s4  }
0x98: {  	_ =	strace $0x8FFFFFFF  }
0x99: {  	s19 =	sld [smem:$0x3FDB];
	_ =	sdelay $0x1  }
0x9a: {  	s5 =	simm.s32 $_scs_section_size  }
0x9b: {  	s6 =	simm.s32 $_size__tile_overlayer_lowered;
	s7 =	simm.s32 $_tile_overlayer_lowered  }
0x9c: {  	s22 =	simm.s32 $0x1BFF;
	s21 =	sshll.u32 s7, $0x1;
	s4 =	sadd.s32 s5, s19  }
0x9d: {  	s8 =	simm.s32 $0x0;
	s20 =	sshll.u32 s6, $0x1;
	s6 =	sadd.s32 s21, s4  }
0x9e: {  	[timem:s8], [sflag:s22] =	dma.local [hbm:s6], s20  }
0x9f: {  	_ =	swait.ge [sflag:s22], s20  }
0xa0: {  	s5 =	ssub.s32 $0x0, s20;
	[sflag:s22] =	ssyncset.done $0x0  }
0xa1: {  	[sflag:s22] =	ssyncadd.s32 s5;
	_ =	sdelay $0x1  }
0xa2: {  	s23 =	simm.s32 $0x1B8B  }
0xa3: {  	_ =	swait.ge [sflag:s23], $0x1  }
0xa4: {  	[sflag:s23] =	ssyncset.done $0x0  }
0xa5: {  	s25 =	simm.s32 $0x1B8E;
	s24 =	sld [smem:$0x3FFE];
	[sflag:s23] =	ssyncadd.s32 $0xFFFFFFFF  }
0xa6: {  	s26 =	simm.s32 $execute0_lowered;
	[smem:$0x3FD2] =	sst s25  }
0xa7: {  	s6 =	sshll.u32 s26, $0x1;
	_ =	strace $0x80000046;
	[dreg:$0x1] =	wrdreg $0xFFFFFFFF  }
0xa8: {  	s28 =	simm.s32 $_size_execute0_lowered;
	s4 =	sadd.s32 s4, s6;
	[dreg:$0x0] =	wrdreg $0x0  }
0xa9: {  	s6 =	sshll.u32 s28, $0x1;
	[dreg:$0x2] =	wrdreg s4  }
0xaa: {  	[dreg:$0x3] =	wrdreg s6  }
0xab: {  	[dreg:$0x4] =	wrdreg $0xC0  }
0xac: {  	_ =	task [dreg:s8], $0x5FFFF  }
0xad: {  	[dreg:$0x1] =	wrdreg $0xFFFFFFFF  }
0xae: {  	[dreg:$0x0] =	wrdreg $0x60  }
0xaf: {  	[dreg:$0x2] =	wrdreg s24  }
0xb0: {  	[dreg:$0x3] =	wrdreg s2  }
0xb1: {  	[dreg:$0x4] =	wrdreg s18  }
0xb2: {  	[dreg:$0x5] =	wrdreg $0x9  }
0xb3: {  	_ =	task.clear_ibuf [dreg:s8], $0x6FFFF;
	_ =	strace $0x90000046  }
0xb4: {  	s29 =	simm.s32 $0x9;
	_ =	strace $0x80000048  }
0xb5: {  	_ =	swait.ge [sflag:s29], $0x1  }
0xb6: {  	[sflag:s29] =	ssyncadd.s32 $0xFFFFFFFF  }
0xb7: {  	_ =	strace $0x90000048  }
0xb8: {  	_ =	sfence  }
0xb9: {  	s30 =	sld [smem:$0x0];
	_ =	sdelay $0x2  }
0xba: {  	s31 =	sshll.u32 s1, $0xD;
	s1 =	sshrl.u32 s1, $0x2  }
0xbb: {  	s3 =	sand.u32 $0x4000, s31;
	s1 =	sadd.s32 s1, s30  }
0xbc: {  	s0 =	sor.u32 s3, s0;
	s1 =	sshll.u32 s1, $0x11  }
0xbd: {  	s0 =	sor.u32 s1, s0  }
0xbe: {  	s0 =	sadd.s32 $0x8F2B, s0  }
0xbf: {  	[sflag:s0] =	ssyncadd.remote.s32 $0x1  }
0xc0: {  	_ =	sfence.sel $0xFFFF  }
0xc1: {  	[dreg:$0x0] =	wrdreg $0xFFFFFFFF;
	(pc) =	sbr.abs _section_cstart, $3  }
0xc2: {  	[dreg:$0x1] =	wrdreg $0xFFFFFFFF  }
0xc3: {  	_ =	task.clear_ibuf [dreg:s8], $0x2FFFF;
	_ =	strace $0x9FFFFFFF  }
0xc4: {  	(tm) =	ssettm $0x7FFFFFFF  }
0xc5: {  	_ =	shalt  }
tec
execute0_lowered:
.L_overlay_start_1:
0x0: {  	(tag) =	ssettag $0x1  }
0x1: {  	s0 =	rddreg [dreg:$0x0]  }
0x2: {  	s2 =	rddreg [dreg:$0x1];
	s1 =	srdreg.scid  }
0x3: {  	s11 =	stileid.u32;
	s4 =	rddreg [dreg:$0x2]  }
0x4: {  	s3 =	simm.s32 $0x0;
	s28 =	simm.s32 $0xCC00;
	s14 =	smul.u32 $0xC800, s11  }
0x5: {  	s29 =	simm.s32 $0x5;
	s1 =	sand.u32 $0x1, s1;
	s18 =	smul.u32 $0xC8000, s11  }
0x6: {  	s30 =	simm.s32 $0x300;
	s5 =	sshll.u32 s11, $0x1;
	s16 =	smul.u32 $0x6400, s1  }
0x7: {  	s5 =	sor.u32 s1, s5;
	s6 =	ssub.s32 $0x2, s1;
	s1 =	smul.u32 $0x64000, s1  }
0x8: {  	s31 =	simm.s32 $0x4;
	[smem:$0x7FF] =	sst s3;
	s7 =	smul.u32 $0x6400, s5  }
0x9: {  	s0 =	sadd.s32 $0x400, s0;
	s11 =	simm.s32 $0x0;
	s10 =	smul.u32 $0x64000, s5  }
0xa: {  	_ =	strace $0x80000047;
	s8 =	sshrl.u32 s6, $0x1;
	s5 =	smul.u32 $0x320000, s5  }
0xb: {  	s6 =	ssub.s32 s6, s8;
	s25 =	sor.u32 $0xC8, s7;
	s7 =	sshrl.u32 s7, $0x3  }
0xc: {  	s13 =	sadd.s32 s4, s10;
	s5 =	sshrl.u32 s5, $0x3;
	s6 =	smax.u32 s6, $0x1  }
0xd: {  	s10 =	simm.s32 $0xC;
	s9 =	sshrl.u32 s25, $0x3;
	[dreg:$0x7] =	wrdreg s13  }
0xe: {  	s12 =	sadd.s32 s0, s7;
	s8 =	sshll.u32 s25, $0x4;
	[dreg:$0xd] =	wrdreg s6  }
0xf: {  	s5 =	sadd.s32 s4, s5;
	s26 =	sadd.s32 s0, s9;
	[dreg:$0x4] =	wrdreg s12  }
0x10: {  	s7 =	sadd.s32 s16, s14;
	s9 =	sadd.s32 $0x32, s12;
	[dreg:$0x5] =	wrdreg s26  }
0x11: {  	s6 =	simm.s32 $0x7;
	s15 =	sadd.s32 $0x4B, s12;
	[dreg:$0x6] =	wrdreg s9  }
0x12: {  	s8 =	sadd.s32 s4, s8;
	s17 =	sadd.s32 $0x64, s12;
	[dreg:$0x8] =	wrdreg s15  }
0x13: {  	s19 =	sadd.s32 $0x62700, s5;
	s20 =	sor.u32 $0x3E8, s7;
	[dreg:$0x9] =	wrdreg s8  }
0x14: {  	s5 =	sadd.s32 $0x63380, s5;
	s4 =	sadd.s32 s18, s4;
	[dreg:$0xa] =	wrdreg s17  }
0x15: {  	s23 =	sadd.s32 $0x640, s7;
	s24 =	sadd.s32 $0x578, s7;
	[dreg:$0xb] =	wrdreg s19  }
0x16: {  	s25 =	sadd.s32 $0x4B0, s7;
	s7 =	simm.s32 $0xA;
	[dreg:$0xc] =	wrdreg s5  }
0x17: {  	s21 =	sshrl.u32 s20, $0x3;
	s14 =	sadd.s32 s1, s4;
	s1 =	sshrl.u32 s23, $0x3  }
0x18: {  	s4 =	sshrl.u32 s24, $0x3;
	s5 =	sshrl.u32 s25, $0x3;
	s19 =	simm.s32 $0x100  }
0x19: {  	s20 =	simm.s32 $0x200;
	s23 =	simm.s32 $0x400;
	s24 =	simm.s32 $0x2  }
0x1a: {  	s25 =	simm.s32 $0x6800;
	s8 =	simm.s32 $0x8;
	s22 =	sadd.s32 s21, s0  }
.Ltmp0:
0x1b: {  	s1 =	sadd.s32 s1, s0;
	[dreg:$0xe] =	wrdreg s22;
	(pc) =	sbr.rel .LBB2_1-.Ltmp0, $4  }
0x1c: {  	s9 =	simm.s32 $0xB;
	s26 =	sadd.s32 s4, s0;
	[dreg:$0xf] =	wrdreg s1  }
0x1d: {  	s0 =	sadd.s32 s5, s0;
	s21 =	simm.s32 $0x1;
	[dreg:$0x10] =	wrdreg s26  }
0x1e: {  	s5 =	simm.s32 $0x9;
	[dreg:$0x11] =	wrdreg s0;
	s22 =	simm.s32 $0xC8  }
0x1f: {  	s26 =	simm.s32 $0x3;
	s1 =	simm.s32 $0x13000;
	s0 =	simm.s32 $0x6  }
.LBB2_4:
0x20: {  	_ =	swait.ge [sflag:s6], $0x6400  }
0x21: {  	[sflag:s6] =	ssyncset.done $0x0  }
0x22: {  	s4 =	rddreg [dreg:$0xb];
	[sflag:s6] =	ssyncadd.s32 $0xFFFF9C00  }
0x23: {  	[hbm4b:s4+s3] =	stream.linear.scatter [tilespmem:s28], [sflag:$0xB], $0x6400, $0x38;
	[tilespmem:$0x19400] =	vst v63  }
0x24: {  	_ =	swait.ge [sflag:s8], $0x6400  }
0x25: {  	[sflag:s8] =	ssyncset.done $0x0  }
0x26: {  	s17 =	rddreg [dreg:$0xc];
	[sflag:s8] =	ssyncadd.s32 $0xFFFF9C00  }
0x27: {  	[hbm4b:s17+s3] =	stream.linear.scatter [tilespmem:s1], [sflag:$0xC], $0x6400, $0x38;
	[tilespmem:$0x19400] =	vst v63  }
0x28: {  	_ =	swait.ge [sflag:s5], $0x6400  }
0x29: {  	[sflag:s5] =	ssyncset.done $0x0  }
0x2a: {  	[sflag:s5] =	ssyncadd.s32 $0xFFFF9C00  }
0x2b: {  	_ =	swait.ge [sflag:s7], $0x6400  }
0x2c: {  	[sflag:s7] =	ssyncset.done $0x0  }
0x2d: {  	[sflag:s7] =	ssyncadd.s32 $0xFFFF9C00  }
0x2e: {  	_ =	swait.ge [sflag:s9], $0x6400  }
0x2f: {  	[sflag:s9] =	ssyncset.done $0x0  }
0x30: {  	[sflag:s9] =	ssyncadd.s32 $0xFFFF9C00  }
0x31: {  	_ =	swait.ge [sflag:s10], $0x6400  }
0x32: {  	s11 =	sadd.s32 $0x1, s11;
	s18 =	rddreg [dreg:$0xd]  }
0x33: {  	p0 =	sne.s32 s11, s18  }
.Ltmp1:
0x34: {  	_ = 	snop;
	(pc) =	sbr.rel @!p0 .LBB2_5-.Ltmp1, $3  }
0x35: {  	_ =	sdelay $0x1  }
0x36: {  	[sflag:s10] =	ssyncset.done $0x0  }
0x37: {  	[sflag:s10] =	ssyncadd.s32 $0xFFFF9C00  }
.LBB2_1:
0x38: {  	s4 =	rddreg [dreg:$0x4]  }
0x39: {  	[tilespmem:s3], [sflag:$0x1] =	stream.linear.gather [hbm4b:s4+s3], $0xC8, $0x38;
	[tilespmem:$0x19400] =	vst v63  }
0x3a: {  	s12 =	rddreg [dreg:$0x5]  }
0x3b: {  	[tilespmem:s19], [sflag:$0x2] =	stream.linear.gather [hbm4b:s12+s3], $0xC8, $0x38;
	[tilespmem:$0x19400] =	vst v63  }
0x3c: {  	s13 =	rddreg [dreg:$0x6]  }
0x3d: {  	[tilespmem:s20], [sflag:$0x3] =	stream.linear.gather [hbm4b:s13+s3], $0xC8, $0x38;
	[tilespmem:$0x19400] =	vst v63  }
0x3e: {  	_ =	swait.ge [sflag:s21], $0xC8  }
0x3f: {  	[sflag:s21] =	ssyncset.done $0x0  }
0x40: {  	[sflag:s21] =	ssyncadd.s32 $0xFFFFFF38  }
0x41: {  	[tilespmem:s23], [sflag:$0x5] =	stream.indirect.gather [hbm4b:s2+s22], $0x80, s3, s22, $0xb8;
	[tilespmem:$0x19400] =	vst v63  }
0x42: {  	_ =	swait.ge [sflag:s24], $0xC8  }
0x43: {  	[sflag:s24] =	ssyncset.done $0x0  }
0x44: {  	[sflag:s24] =	ssyncadd.s32 $0xFFFFFF38  }
0x45: {  	[tilespmem:s25], [sflag:$0x6] =	stream.indirect.gather [hbm4b:s2+s22], $0x80, s19, s22, $0xb8;
	[tilespmem:$0x19400] =	vst v63  }
0x46: {  	_ =	swait.ge [sflag:s26], $0xC8  }
0x47: {  	[sflag:s26] =	ssyncset.done $0x0  }
0x48: {  	[sflag:s26] =	ssyncadd.s32 $0xFFFFFF38  }
0x49: {  	[tilespmem:s28], [sflag:$0x7] =	stream.indirect.gather [hbm4b:s2+s22], $0x80, s20, s22, $0xb8;
	[tilespmem:$0x19400] =	vst v63  }
0x4a: {  	_ =	swait.ge [sflag:s29], $0x6400  }
0x4b: {  	[sflag:s29] =	ssyncset.done $0x0  }
0x4c: {  	s15 =	rddreg [dreg:$0x7];
	[sflag:s29] =	ssyncadd.s32 $0xFFFF9C00  }
0x4d: {  	[hbm4b:s15+s3] =	stream.linear.scatter [tilespmem:s23], [sflag:$0x9], $0x6400, $0x38;
	[tilespmem:$0x19400] =	vst v63  }
0x4e: {  	s16 =	rddreg [dreg:$0x8]  }
0x4f: {  	[tilespmem:s30], [sflag:$0x4] =	stream.linear.gather [hbm4b:s16+s3], $0xC8, $0x38;
	[tilespmem:$0x19400] =	vst v63  }
0x50: {  	_ =	swait.ge [sflag:s31], $0xC8  }
0x51: {  	[sflag:s31] =	ssyncset.done $0x0  }
0x52: {  	[sflag:s31] =	ssyncadd.s32 $0xFFFFFF38  }
0x53: {  	[tilespmem:s1], [sflag:$0x8] =	stream.indirect.gather [hbm4b:s2+s22], $0x80, s30, s22, $0xb8;
	[tilespmem:$0x19400] =	vst v63  }
0x54: {  	_ =	swait.ge [sflag:s0], $0x6400  }
0x55: {  	s17 =	rddreg [dreg:$0x9]  }
0x56: {  	s18 =	rddreg [dreg:$0xa]  }
0x57: {  	[sflag:s0] =	ssyncset.done $0x0;
	s16 =	rddreg [dreg:$0xf]  }
0x58: {  	s15 =	rddreg [dreg:$0xe];
	[sflag:s0] =	ssyncadd.s32 $0xFFFF9C00  }
0x59: {  	[hbm4b:s17+s3] =	stream.linear.scatter [tilespmem:s25], [sflag:$0xA], $0x6400, $0x38;
	[tilespmem:$0x19400] =	vst v63  }
0x5a: {  	s17 =	rddreg [dreg:$0x10]  }
0x5b: {  	[tilespmem:s3], [sflag:$0x1] =	stream.linear.gather [hbm4b:s18+s3], $0xC8, $0x38;
	[tilespmem:$0x19400] =	vst v63  }
0x5c: {  	s13 =	simm.s32 $0x0;
	s18 =	rddreg [dreg:$0x11]  }
.LBB2_2:
0x5d: {  	_ =	swait.ge [sflag:s5], $0x6400  }
0x5e: {  	[sflag:s5] =	ssyncset.done $0x0  }
0x5f: {  	[sflag:s5] =	ssyncadd.s32 $0xFFFF9C00  }
0x60: {  	_ =	swait.ge [sflag:s21], $0xC8  }
0x61: {  	[sflag:s21] =	ssyncset.done $0x0  }
0x62: {  	[sflag:s21] =	ssyncadd.s32 $0xFFFFFF38  }
0x63: {  	[tilespmem:s23], [sflag:$0x5] =	stream.indirect.gather [hbm4b:s2+s22], $0x80, s3, s22, $0xb8;
	[tilespmem:$0x19400] =	vst v63  }
0x64: {  	_ =	swait.ge [sflag:s6], $0x6400  }
0x65: {  	s12 =	sadd.s32 s13, s14;
	[sflag:s6] =	ssyncset.done $0x0  }
0x66: {  	s4 =	sadd.s32 $0x1900, s12;
	[sflag:s6] =	ssyncadd.s32 $0xFFFF9C00  }
0x67: {  	[hbm4b:s4+s3] =	stream.linear.scatter [tilespmem:s28], [sflag:$0xB], $0x6400, $0x38;
	[tilespmem:$0x19400] =	vst v63  }
0x68: {  	_ = 	snop  }
0x69: {  	[tilespmem:s19], [sflag:$0x2] =	stream.linear.gather [hbm4b:s15+s3], $0xC8, $0x38;
	[tilespmem:$0x19400] =	vst v63  }
0x6a: {  	_ =	swait.ge [sflag:s7], $0x6400  }
0x6b: {  	[sflag:s7] =	ssyncset.done $0x0  }
0x6c: {  	[sflag:s7] =	ssyncadd.s32 $0xFFFF9C00  }
0x6d: {  	_ =	swait.ge [sflag:s24], $0xC8  }
0x6e: {  	[sflag:s24] =	ssyncset.done $0x0  }
0x6f: {  	[sflag:s24] =	ssyncadd.s32 $0xFFFFFF38  }
0x70: {  	[tilespmem:s25], [sflag:$0x6] =	stream.indirect.gather [hbm4b:s2+s22], $0x80, s19, s22, $0xb8;
	[tilespmem:$0x19400] =	vst v63  }
0x71: {  	_ =	swait.ge [sflag:s8], $0x6400  }
0x72: {  	[sflag:s8] =	ssyncset.done $0x0  }
0x73: {  	s4 =	sadd.s32 $0x2580, s12;
	[sflag:s8] =	ssyncadd.s32 $0xFFFF9C00  }
0x74: {  	[hbm4b:s4+s3] =	stream.linear.scatter [tilespmem:s1], [sflag:$0xC], $0x6400, $0x38;
	[tilespmem:$0x19400] =	vst v63  }
0x75: {  	_ = 	snop  }
0x76: {  	[tilespmem:s20], [sflag:$0x3] =	stream.linear.gather [hbm4b:s18+s3], $0xC8, $0x38;
	[tilespmem:$0x19400] =	vst v63  }
0x77: {  	_ =	swait.ge [sflag:s9], $0x6400  }
0x78: {  	[sflag:s9] =	ssyncset.done $0x0  }
0x79: {  	[sflag:s9] =	ssyncadd.s32 $0xFFFF9C00  }
0x7a: {  	_ =	swait.ge [sflag:s26], $0xC8  }
0x7b: {  	[sflag:s26] =	ssyncset.done $0x0  }
0x7c: {  	[sflag:s26] =	ssyncadd.s32 $0xFFFFFF38  }
0x7d: {  	[tilespmem:s28], [sflag:$0x7] =	stream.indirect.gather [hbm4b:s2+s22], $0x80, s20, s22, $0xb8;
	[tilespmem:$0x19400] =	vst v63  }
0x7e: {  	_ =	swait.ge [sflag:s29], $0x6400  }
0x7f: {  	[sflag:s29] =	ssyncset.done $0x0  }
0x80: {  	s4 =	sadd.s32 $0x3200, s12;
	[sflag:s29] =	ssyncadd.s32 $0xFFFF9C00  }
0x81: {  	[hbm4b:s4+s3] =	stream.linear.scatter [tilespmem:s23], [sflag:$0x9], $0x6400, $0x38;
	[tilespmem:$0x19400] =	vst v63  }
0x82: {  	_ = 	snop  }
0x83: {  	[tilespmem:s30], [sflag:$0x4] =	stream.linear.gather [hbm4b:s17+s3], $0xC8, $0x38;
	[tilespmem:$0x19400] =	vst v63  }
0x84: {  	_ =	swait.ge [sflag:s10], $0x6400  }
0x85: {  	[sflag:s10] =	ssyncset.done $0x0  }
0x86: {  	[sflag:s10] =	ssyncadd.s32 $0xFFFF9C00  }
0x87: {  	_ =	swait.ge [sflag:s31], $0xC8  }
0x88: {  	[sflag:s31] =	ssyncset.done $0x0  }
0x89: {  	p0 =	seq.s32 s13, $0x5DC00;
	[sflag:s31] =	ssyncadd.s32 $0xFFFFFF38  }
0x8a: {  	[tilespmem:s1], [sflag:$0x8] =	stream.indirect.gather [hbm4b:s2+s22], $0x80, s30, s22, $0xb8;
	[tilespmem:$0x19400] =	vst v63  }
.Ltmp2:
0x8b: {  	_ = 	snop;
	(pc) =	sbr.rel @p0 .LBB2_4-.Ltmp2, $4  }
0x8c: {  	_ =	swait.ge [sflag:s0], $0x6400  }
0x8d: {  	[sflag:s0] =	ssyncset.done $0x0  }
0x8e: {  	s12 =	sadd.s32 $0x3E80, s12;
	[sflag:s0] =	ssyncadd.s32 $0xFFFF9C00  }
0x8f: {  	[hbm4b:s12+s3] =	stream.linear.scatter [tilespmem:s25], [sflag:$0xA], $0x6400, $0x38;
	[tilespmem:$0x19400] =	vst v63  }
.Ltmp3:
0x90: {  	(pc) =	sbr.rel .LBB2_2-.Ltmp3, $4  }
0x91: {  	_ = 	snop  }
0x92: {  	[tilespmem:s3], [sflag:$0x1] =	stream.linear.gather [hbm4b:s16+s3], $0xC8, $0x38;
	[tilespmem:$0x19400] =	vst v63  }
0x93: {  	s13 =	sadd.s32 $0x3200, s13;
	s15 =	sadd.s32 $0x64, s15  }
0x94: {  	s16 =	sadd.s32 $0x64, s16;
	s17 =	sadd.s32 $0x64, s17;
	s18 =	sadd.s32 $0x64, s18  }
.LBB2_5:
0x95: {  	_ =	sfence.sel $0x180000  }
0x96: {  	[bflag:$0x0] =	sbarrier.arrive $0xFFFF  }
0x97: {  	_ =	strace $0x90000047  }
0x98: {  	s0 =	stileid.u32;
	[bflag:$0x2] =	sbarrier.arrive $0xFFFF  }
0x99: {  	p0 =	sne.s32 s0, $0x0;
	s0 =	rddreg [dreg:$0x3]  }
0x9a: {  	s0 =	sadd.s32 @!p0 $0x100000, s0  }
0x9b: {  	[sflag:s0] =	ssyncadd.tile.s32 @!p0 $0x1;
	_ =	shalt  }
.Lfunc_end2:
_tile_overlayer_lowered:
.L_overlay_start_2:
0x9c: {  	(tag) =	ssettag $0x2  }
0x9d: {  	s0 =	rddreg [dreg:$0x0];
	s2 =	stileid.u32  }
0x9e: {  	s1 =	rddreg [dreg:$0x1];
	p0 =	sne.s32 s2, $0x0  }
0x9f: {  	s3 =	rddreg [dreg:$0x2];
	[bflag:$0x3] =	sbarrier.arrive $0xFFFF;
	s2 =	simm.s32 @!p0 $0x1C0D  }
0xa0: {  	[timem:s3], [sflag:s2] =	dma.local @!p0 [hbm:s0], s1  }
0xa1: {  	s0 =	simm.s32 @!p0 $0xD  }
0xa2: {  	_ =	swait.ge @!p0 [sflag:s0], s1  }
0xa3: {  	s1 =	ssub.s32 @!p0 $0x0, s1;
	[sflag:s0] =	ssyncset.done @!p0 $0x0  }
0xa4: {  	[sflag:s0] =	ssyncadd.s32 @!p0 s1  }
0xa5: {  	[bflag:$0x3] =	sbarrier.arrive $0xFFFF  }
0xa6: {  	_ =	shalt  }

</sc_bundles>
